<compile_context>
chip_gen: v7x
topology: tpu7x:2x2x1
jax: 0.10.2.dev20260603
libtpu: 0.0.44.dev20260713+nightly
codegen_flags: <defaults>
</compile_context>

<pallas_src>
import functools

import jax
import jax.numpy as jnp
from jax import lax
from jax.experimental import pallas as pl
from jax.experimental.pallas import tpu as pltpu
from jax.experimental.pallas import tpu_sc as plsc

_EPS = 1e-5
_NC, _NS, _L = 2, 16, 16
_NW = _NC * _NS


def _rsqrt16(v):
    magic = jnp.full((_L,), 0x5F3759DF, jnp.int32)
    one = jnp.full((_L,), 1, jnp.int32)
    c15 = jnp.full((_L,), 1.5, jnp.float32)
    c05 = jnp.full((_L,), 0.5, jnp.float32)
    i = plsc.bitcast(v, jnp.int32)
    i = magic - lax.shift_right_arithmetic(i, one)
    r = plsc.bitcast(i, jnp.float32)
    half = v * c05
    for _ in range(4):
        r = r * (c15 - half * r * r)
    return r


def sc_fused(n, h, chunk=16):
    rows_per_w = n // _NW
    n_chunks = rows_per_w // chunk
    mesh = plsc.VectorSubcoreMesh(core_axis_name="c", subcore_axis_name="s")

    @functools.partial(
        pl.kernel, mesh=mesh,
        compiler_params=pltpu.CompilerParams(needs_layout_passes=False),
        out_type=jax.ShapeDtypeStruct((n, h), jnp.float32),
        scratch_types=[
            pltpu.VMEM((chunk,), jnp.int32),
            pltpu.VMEM((chunk, h), jnp.float32),
            pltpu.VMEM((chunk, h), jnp.float32),
            pltpu.VMEM((chunk, h), jnp.float32),
            pltpu.VMEM((h,), jnp.float32),
            pltpu.VMEM((h,), jnp.float32),
            pltpu.SemaphoreType.DMA,
        ],
    )
    def k(x_hbm, ids_hbm, tbl_hbm, g_hbm, b_hbm, out_hbm,
          idx_v, x_v, e_v, y_v, g_v, b_v, sem):
        wid = lax.axis_index("s") * _NC + lax.axis_index("c")
        pltpu.sync_copy(g_hbm, g_v)
        pltpu.sync_copy(b_hbm, b_v)
        rid = lax.broadcasted_iota(jnp.int32, (_L,), 0)
        inv_h = jnp.full((_L,), 1.0 / h, jnp.float32)
        eps = jnp.full((_L,), _EPS, jnp.float32)
        zero = jnp.zeros((_L,), jnp.float32)
        col0 = jnp.zeros((_L,), jnp.int32)
        onei = jnp.full((_L,), 1, jnp.int32)

        def chunk_body(c, carry):
            base = pl.multiple_of(wid * rows_per_w + c * chunk, chunk)
            pltpu.sync_copy(ids_hbm.at[pl.ds(base, chunk)], idx_v)
            pltpu.sync_copy(x_hbm.at[pl.ds(base, chunk)], x_v)
            pltpu.async_copy(tbl_hbm.at[idx_v], e_v, sem).wait()

            def pass1(j, st):
                s, q, col = st
                xv = plsc.load_gather(x_v, [rid, col])
                ev = plsc.load_gather(e_v, [rid, col])
                y = xv + ev
                plsc.store_scatter(y_v, [rid, col], y)
                return s + y, q + y * y, col + onei

            s, q, _ = lax.fori_loop(0, h, pass1, (zero, zero, col0))
            mean = s * inv_h
            var = q * inv_h - mean * mean
            rstd = _rsqrt16(var + eps)

            def pass2(j, st):
                (col,) = st
                yv = plsc.load_gather(y_v, [rid, col])
                gv = plsc.load_gather(g_v, [col])
                bv = plsc.load_gather(b_v, [col])
                out = (yv - mean) * rstd * gv + bv
                plsc.store_scatter(y_v, [rid, col], out)
                return (col + onei,)

            lax.fori_loop(0, h, pass2, (col0,))
            pltpu.sync_copy(y_v, out_hbm.at[pl.ds(base, chunk)])
            return carry

        lax.fori_loop(0, n_chunks, chunk_body, 0)

    return k


def kernel(batch_mention_emb, mention_type_ids, emb_table, ln_gamma, ln_beta):
    b, s, h = batch_mention_emb.shape
    n = b * s
    x = batch_mention_emb.reshape(n, h)
    ids = mention_type_ids.reshape(n).astype(jnp.int32)
    out = sc_fused(n, h)(x, ids, emb_table, ln_gamma, ln_beta)
    return out.reshape(b, s, h)

# --- scband reference (transcript-rebuilt; emitter-appended) ---
"""Pipeline reference for scband-mention-type-encoder-24335284699401 (READ-ONLY COPY).

The authoritative reference and input builder live on the scoring server;
editing this copy changes nothing except your own understanding.
"""

import jax, jax.numpy as jnp
import numpy as np

B, S, HIDDEN, NUM_TYPES = 4, 4096, 1024, 100
EPS = 1e-5

def setup_inputs(seed: int = 0) -> dict:
    key = jax.random.key(seed)
    k1, k2, k3 = jax.random.split(key, 3)
    batch_mention_emb = jax.random.normal(k1, (B, S, HIDDEN), dtype=jnp.float32)
    mention_type_ids = jax.random.randint(k2, (B, S), 0, NUM_TYPES)
    emb_table = jax.random.normal(k3, (NUM_TYPES, HIDDEN), dtype=jnp.float32) * 0.02
    ln_gamma = jnp.ones((HIDDEN,), dtype=jnp.float32)
    ln_beta = jnp.zeros((HIDDEN,), dtype=jnp.float32)
    return {
        'batch_mention_emb': batch_mention_emb,
        'mention_type_ids': mention_type_ids,
        'emb_table': emb_table,
        'ln_gamma': ln_gamma,
        'ln_beta': ln_beta,
    }

def reference(batch_mention_emb, mention_type_ids, emb_table, ln_gamma, ln_beta):
    # fuse_method='add' path of MentionTypeEncoder.forward
    batch_mention_type_emb = jnp.take(emb_table, mention_type_ids, axis=0)
    out = batch_mention_emb + batch_mention_type_emb
    # LayerNorm over last dim (biased variance, matching torch LayerNorm)
    mean = jnp.mean(out, axis=-1, keepdims=True)
    var = jnp.mean(jnp.square(out - mean), axis=-1, keepdims=True)
    out = (out - mean) / jnp.sqrt(var + EPS) * ln_gamma + ln_beta
    # dropout is identity in eval mode
    return out

if __name__ == "__main__":
    import jax
    _d = setup_inputs()
    print(jax.jit(kernel)(*tuple(_d.values())))

</pallas_src>

<mosaic_0001>
#map = affine_map<(d0, d1) -> (0, 0)>
#map1 = affine_map<(d0, d1) -> (0)>
module attributes {stable_mosaic.version = 14 : i64} {
  func.func @k(%arg0: i32, %arg1: i32, %arg2: memref<16384x1024xf32, #tpu.memory_space<hbm>>, %arg3: memref<16384xi32, #tpu.memory_space<hbm>>, %arg4: memref<100x1024xf32, #tpu.memory_space<hbm>>, %arg5: memref<1024xf32, #tpu.memory_space<hbm>>, %arg6: memref<1024xf32, #tpu.memory_space<hbm>>, %arg7: memref<16384x1024xf32, #tpu.memory_space<hbm>>, %arg8: memref<16xi32, #tpu.memory_space<vmem>>, %arg9: memref<16x1024xf32, #tpu.memory_space<vmem>>, %arg10: memref<16x1024xf32, #tpu.memory_space<vmem>>, %arg11: memref<16x1024xf32, #tpu.memory_space<vmem>>, %arg12: memref<1024xf32, #tpu.memory_space<vmem>>, %arg13: memref<1024xf32, #tpu.memory_space<vmem>>, %arg14: memref<!tpu.dma_semaphore, #tpu.memory_space<semaphore_mem>>) attributes {dimension_semantics = [#tpu.dimension_semantics<core_parallel>, #tpu.dimension_semantics<subcore_parallel>], iteration_bounds = array<i64: 2, 16>, scalar_prefetch = 0 : i64, scratch_operands = 7 : i64, tpu.core_type = #tpu.core_type<sc_vector_subcore>, window_params = [{transform_indices = #map}, {transform_indices = #map1}, {transform_indices = #map}, {transform_indices = #map1}, {transform_indices = #map1}, {transform_indices = #map}]} {
    %mul3A = arith.constant 2 : i32
    %mul3A_0 = arith.muli %arg1, %mul3A : i32
    %add3A = arith.addi %mul3A_0, %arg0 : i32
    "tpu.region"() ({
      %run_scoped3A = tpu.sem_alloc : memref<!tpu.dma_semaphore, #tpu.memory_space<semaphore_mem>>
      tpu.enqueue_dma source(%arg5 : memref<1024xf32, #tpu.memory_space<hbm>>) target(%arg12 : memref<1024xf32, #tpu.memory_space<vmem>>) target_semaphore(%run_scoped3A : memref<!tpu.dma_semaphore, #tpu.memory_space<semaphore_mem>>)
      tpu.wait_dma2 semaphore(%run_scoped3A : memref<!tpu.dma_semaphore, #tpu.memory_space<semaphore_mem>>) src(%arg5 : memref<1024xf32, #tpu.memory_space<hbm>>) dst(%arg12 : memref<1024xf32, #tpu.memory_space<vmem>>)
      tpu.yield
    }) : () -> ()
    "tpu.region"() ({
      %run_scoped3A = tpu.sem_alloc : memref<!tpu.dma_semaphore, #tpu.memory_space<semaphore_mem>>
      tpu.enqueue_dma source(%arg6 : memref<1024xf32, #tpu.memory_space<hbm>>) target(%arg13 : memref<1024xf32, #tpu.memory_space<vmem>>) target_semaphore(%run_scoped3A : memref<!tpu.dma_semaphore, #tpu.memory_space<semaphore_mem>>)
      tpu.wait_dma2 semaphore(%run_scoped3A : memref<!tpu.dma_semaphore, #tpu.memory_space<semaphore_mem>>) src(%arg6 : memref<1024xf32, #tpu.memory_space<hbm>>) dst(%arg13 : memref<1024xf32, #tpu.memory_space<vmem>>)
      tpu.yield
    }) : () -> ()
    %iota3A = tpu.iota {dimensions = array<i32: 0>} : vector<16xi32>
    %broadcast_in_dim3A = arith.constant 9.765625E-4 : f32
    %broadcast_in_dim3A_1 = vector.broadcast %broadcast_in_dim3A : f32 to vector<16xf32>
    %broadcast_in_dim3A_2 = arith.constant 9.99999974E-6 : f32
    %broadcast_in_dim3A_3 = vector.broadcast %broadcast_in_dim3A_2 : f32 to vector<16xf32>
    %broadcast_in_dim3A_4 = arith.constant 0.000000e+00 : f32
    %broadcast_in_dim3A_5 = vector.broadcast %broadcast_in_dim3A_4 : f32 to vector<16xf32>
    %broadcast_in_dim3A_6 = arith.constant 0 : i32
    %broadcast_in_dim3A_7 = vector.broadcast %broadcast_in_dim3A_6 : i32 to vector<16xi32>
    %broadcast_in_dim3A_8 = arith.constant 1 : i32
    %broadcast_in_dim3A_9 = vector.broadcast %broadcast_in_dim3A_8 : i32 to vector<16xi32>
    %scan3A = arith.constant 0 : i32
    %scan3A_10 = arith.constant 0 : i32
    %scan3A_11 = arith.constant 32 : i32
    %scan3A_12 = arith.addi %scan3A_10, %scan3A_11 : i32
    %scan3A_13 = arith.constant 1 : i32
    scf.for %scan3A_15 = %scan3A_10 to %scan3A_12 step %scan3A_13  : i32 {
      %mul3A_16 = arith.constant 512 : i32
      %mul3A_17 = arith.muli %add3A, %mul3A_16 : i32
      %mul3A_18 = arith.constant 16 : i32
      %mul3A_19 = arith.muli %scan3A_15, %mul3A_18 : i32
      %add3A_20 = arith.addi %mul3A_17, %mul3A_19 : i32
      %multiple_of3A = tpu.assume_multiple %add3A_20, 16 : i32
      "tpu.region"() ({
        %run_scoped3A = tpu.sem_alloc : memref<!tpu.dma_semaphore, #tpu.memory_space<semaphore_mem>>
        %dma_start3A_68 = tpu.memref_slice %arg3[%multiple_of3A] : memref<16384xi32, #tpu.memory_space<hbm>> -> memref<16xi32, #tpu.memory_space<hbm>>
        %dma_start3A_69 = tpu.memref_slice %arg3[%multiple_of3A] : memref<16384xi32, #tpu.memory_space<hbm>> -> memref<16xi32, #tpu.memory_space<hbm>>
        tpu.enqueue_dma source(%dma_start3A_69 : memref<16xi32, #tpu.memory_space<hbm>>) target(%arg8 : memref<16xi32, #tpu.memory_space<vmem>>) target_semaphore(%run_scoped3A : memref<!tpu.dma_semaphore, #tpu.memory_space<semaphore_mem>>)
        %dma_wait3A_70 = tpu.memref_slice %arg3[%multiple_of3A] : memref<16384xi32, #tpu.memory_space<hbm>> -> memref<16xi32, #tpu.memory_space<hbm>>
        %dma_wait3A_71 = tpu.memref_slice %arg3[%multiple_of3A] : memref<16384xi32, #tpu.memory_space<hbm>> -> memref<16xi32, #tpu.memory_space<hbm>>
        tpu.wait_dma2 semaphore(%run_scoped3A : memref<!tpu.dma_semaphore, #tpu.memory_space<semaphore_mem>>) src(%dma_wait3A_71 : memref<16xi32, #tpu.memory_space<hbm>>) dst(%arg8 : memref<16xi32, #tpu.memory_space<vmem>>)
        tpu.yield
      }) : () -> ()
      "tpu.region"() ({
        %run_scoped3A = tpu.sem_alloc : memref<!tpu.dma_semaphore, #tpu.memory_space<semaphore_mem>>
        %dma_start3A_68 = arith.constant 0 : i32
        %dma_start3A_69 = tpu.memref_slice %arg2[%multiple_of3A, %dma_start3A_68] : memref<16384x1024xf32, #tpu.memory_space<hbm>> -> memref<16x1024xf32, #tpu.memory_space<hbm>>
        %dma_start3A_70 = arith.constant 0 : i32
        %dma_start3A_71 = tpu.memref_slice %arg2[%multiple_of3A, %dma_start3A_70] : memref<16384x1024xf32, #tpu.memory_space<hbm>> -> memref<16x1024xf32, #tpu.memory_space<hbm>>
        tpu.enqueue_dma source(%dma_start3A_71 : memref<16x1024xf32, #tpu.memory_space<hbm>>) target(%arg9 : memref<16x1024xf32, #tpu.memory_space<vmem>>) target_semaphore(%run_scoped3A : memref<!tpu.dma_semaphore, #tpu.memory_space<semaphore_mem>>)
        %dma_wait3A_72 = arith.constant 0 : i32
        %dma_wait3A_73 = tpu.memref_slice %arg2[%multiple_of3A, %dma_wait3A_72] : memref<16384x1024xf32, #tpu.memory_space<hbm>> -> memref<16x1024xf32, #tpu.memory_space<hbm>>
        %dma_wait3A_74 = arith.constant 0 : i32
        %dma_wait3A_75 = tpu.memref_slice %arg2[%multiple_of3A, %dma_wait3A_74] : memref<16384x1024xf32, #tpu.memory_space<hbm>> -> memref<16x1024xf32, #tpu.memory_space<hbm>>
        tpu.wait_dma2 semaphore(%run_scoped3A : memref<!tpu.dma_semaphore, #tpu.memory_space<semaphore_mem>>) src(%dma_wait3A_75 : memref<16x1024xf32, #tpu.memory_space<hbm>>) dst(%arg9 : memref<16x1024xf32, #tpu.memory_space<vmem>>)
        tpu.yield
      }) : () -> ()
      %dma_start3A = arith.constant 0 : i32
      %dma_start3A_21 = arith.constant 0 : i32
      %dma_start3A_22 = tpu.memref_slice %arg4[%dma_start3A, %dma_start3A_21] : memref<100x1024xf32, #tpu.memory_space<hbm>> -> memref<100x1024xf32, #tpu.memory_space<hbm>>
      tpu.enqueue_indirect_dma source(%dma_start3A_22 : memref<100x1024xf32, #tpu.memory_space<hbm>>) target(%arg10 : memref<16x1024xf32, #tpu.memory_space<vmem>>) offsets(%arg8 : memref<16xi32, #tpu.memory_space<vmem>>) semaphore(%arg14 : memref<!tpu.dma_semaphore, #tpu.memory_space<semaphore_mem>>)
      %dma_wait3A = arith.constant 0 : i32
      %dma_wait3A_23 = arith.constant 0 : i32
      %dma_wait3A_24 = tpu.memref_slice %arg4[%dma_wait3A, %dma_wait3A_23] : memref<100x1024xf32, #tpu.memory_space<hbm>> -> memref<100x1024xf32, #tpu.memory_space<hbm>>
      tpu.wait_indirect_dma semaphore(%arg14 : memref<!tpu.dma_semaphore, #tpu.memory_space<semaphore_mem>>) src(%dma_wait3A_24 : memref<100x1024xf32, #tpu.memory_space<hbm>>) dst(%arg10 : memref<16x1024xf32, #tpu.memory_space<vmem>>)
      %scan3A_25 = arith.constant 0 : i32
      %scan3A_26 = arith.constant 1024 : i32
      %scan3A_27 = arith.addi %scan3A_25, %scan3A_26 : i32
      %scan3A_28 = arith.constant 1 : i32
      %scan3A_29:3 = scf.for %scan3A_68 = %scan3A_25 to %scan3A_27 step %scan3A_28 iter_args(%scan3A_69 = %broadcast_in_dim3A_5, %scan3A_70 = %broadcast_in_dim3A_5, %scan3A_71 = %broadcast_in_dim3A_7) -> (vector<16xf32>, vector<16xf32>, vector<16xi32>)  : i32 {
        %gather3A = tpu.vector_load_idx %arg9[%iota3A, %scan3A_71] : memref<16x1024xf32, #tpu.memory_space<vmem>>[vector<16xi32>, vector<16xi32>], vector<16xf32>,
        %gather3A_72 = tpu.vector_load_idx %arg10[%iota3A, %scan3A_71] : memref<16x1024xf32, #tpu.memory_space<vmem>>[vector<16xi32>, vector<16xi32>], vector<16xf32>,
        %add3A_73 = arith.addf %gather3A, %gather3A_72 : vector<16xf32>
        tpu.vector_store_idx %arg11[%iota3A, %scan3A_71], %add3A_73 : memref<16x1024xf32, #tpu.memory_space<vmem>>[vector<16xi32>, vector<16xi32>], vector<16xf32>,
        %add3A_74 = arith.addf %scan3A_69, %add3A_73 : vector<16xf32>
        %mul3A_75 = arith.mulf %add3A_73, %add3A_73 : vector<16xf32>
        %add3A_76 = arith.addf %scan3A_70, %mul3A_75 : vector<16xf32>
        %add3A_77 = arith.addi %scan3A_71, %broadcast_in_dim3A_9 : vector<16xi32>
        scf.yield %add3A_74, %add3A_76, %add3A_77 : vector<16xf32>, vector<16xf32>, vector<16xi32>
      }
      %scan3A_30 = arith.constant 1024 : i32
      %mul3A_31 = arith.mulf %scan3A_29#0, %broadcast_in_dim3A_1 : vector<16xf32>
      %mul3A_32 = arith.mulf %scan3A_29#1, %broadcast_in_dim3A_1 : vector<16xf32>
      %mul3A_33 = arith.mulf %mul3A_31, %mul3A_31 : vector<16xf32>
      %sub3A = arith.subf %mul3A_32, %mul3A_33 : vector<16xf32>
      %add3A_34 = arith.addf %sub3A, %broadcast_in_dim3A_3 : vector<16xf32>
      %broadcast_in_dim3A_35 = arith.constant 1597463007 : i32
      %broadcast_in_dim3A_36 = vector.broadcast %broadcast_in_dim3A_35 : i32 to vector<16xi32>
      %broadcast_in_dim3A_37 = arith.constant 1 : i32
      %broadcast_in_dim3A_38 = vector.broadcast %broadcast_in_dim3A_37 : i32 to vector<16xi32>
      %broadcast_in_dim3A_39 = arith.constant 1.500000e+00 : f32
      %broadcast_in_dim3A_40 = vector.broadcast %broadcast_in_dim3A_39 : f32 to vector<16xf32>
      %broadcast_in_dim3A_41 = arith.constant 5.000000e-01 : f32
      %broadcast_in_dim3A_42 = vector.broadcast %broadcast_in_dim3A_41 : f32 to vector<16xf32>
      %bitcast3A = vector.bitcast %add3A_34 : vector<16xf32> to vector<16xi32>
      %shift_right_arithmetic3A = arith.shrsi %bitcast3A, %broadcast_in_dim3A_38 : vector<16xi32>
      %sub3A_43 = arith.subi %broadcast_in_dim3A_36, %shift_right_arithmetic3A : vector<16xi32>
      %bitcast3A_44 = vector.bitcast %sub3A_43 : vector<16xi32> to vector<16xf32>
      %mul3A_45 = arith.mulf %add3A_34, %broadcast_in_dim3A_42 : vector<16xf32>
      %mul3A_46 = arith.mulf %mul3A_45, %bitcast3A_44 : vector<16xf32>
      %mul3A_47 = arith.mulf %mul3A_46, %bitcast3A_44 : vector<16xf32>
      %sub3A_48 = arith.subf %broadcast_in_dim3A_40, %mul3A_47 : vector<16xf32>
      %mul3A_49 = arith.mulf %bitcast3A_44, %sub3A_48 : vector<16xf32>
      %mul3A_50 = arith.mulf %mul3A_45, %mul3A_49 : vector<16xf32>
      %mul3A_51 = arith.mulf %mul3A_50, %mul3A_49 : vector<16xf32>
      %sub3A_52 = arith.subf %broadcast_in_dim3A_40, %mul3A_51 : vector<16xf32>
      %mul3A_53 = arith.mulf %mul3A_49, %sub3A_52 : vector<16xf32>
      %mul3A_54 = arith.mulf %mul3A_45, %mul3A_53 : vector<16xf32>
      %mul3A_55 = arith.mulf %mul3A_54, %mul3A_53 : vector<16xf32>
      %sub3A_56 = arith.subf %broadcast_in_dim3A_40, %mul3A_55 : vector<16xf32>
      %mul3A_57 = arith.mulf %mul3A_53, %sub3A_56 : vector<16xf32>
      %mul3A_58 = arith.mulf %mul3A_45, %mul3A_57 : vector<16xf32>
      %mul3A_59 = arith.mulf %mul3A_58, %mul3A_57 : vector<16xf32>
      %sub3A_60 = arith.subf %broadcast_in_dim3A_40, %mul3A_59 : vector<16xf32>
      %mul3A_61 = arith.mulf %mul3A_57, %sub3A_60 : vector<16xf32>
      %scan3A_62 = arith.constant 0 : i32
      %scan3A_63 = arith.constant 1024 : i32
      %scan3A_64 = arith.addi %scan3A_62, %scan3A_63 : i32
      %scan3A_65 = arith.constant 1 : i32
      %scan3A_66 = scf.for %scan3A_68 = %scan3A_62 to %scan3A_64 step %scan3A_65 iter_args(%scan3A_69 = %broadcast_in_dim3A_7) -> (vector<16xi32>)  : i32 {
        %gather3A = tpu.vector_load_idx %arg11[%iota3A, %scan3A_69] : memref<16x1024xf32, #tpu.memory_space<vmem>>[vector<16xi32>, vector<16xi32>], vector<16xf32>,
        %gather3A_70 = tpu.vector_load_idx %arg12[%scan3A_69] : memref<1024xf32, #tpu.memory_space<vmem>>[vector<16xi32>], vector<16xf32>,
        %gather3A_71 = tpu.vector_load_idx %arg13[%scan3A_69] : memref<1024xf32, #tpu.memory_space<vmem>>[vector<16xi32>], vector<16xf32>,
        %sub3A_72 = arith.subf %gather3A, %mul3A_31 : vector<16xf32>
        %mul3A_73 = arith.mulf %sub3A_72, %mul3A_61 : vector<16xf32>
        %mul3A_74 = arith.mulf %mul3A_73, %gather3A_70 : vector<16xf32>
        %add3A_75 = arith.addf %mul3A_74, %gather3A_71 : vector<16xf32>
        tpu.vector_store_idx %arg11[%iota3A, %scan3A_69], %add3A_75 : memref<16x1024xf32, #tpu.memory_space<vmem>>[vector<16xi32>, vector<16xi32>], vector<16xf32>,
        %add3A_76 = arith.addi %scan3A_69, %broadcast_in_dim3A_9 : vector<16xi32>
        scf.yield %add3A_76 : vector<16xi32>
      }
      %scan3A_67 = arith.constant 1024 : i32
      "tpu.region"() ({
        %run_scoped3A = tpu.sem_alloc : memref<!tpu.dma_semaphore, #tpu.memory_space<semaphore_mem>>
        %dma_start3A_68 = arith.constant 0 : i32
        %dma_start3A_69 = tpu.memref_slice %arg7[%multiple_of3A, %dma_start3A_68] : memref<16384x1024xf32, #tpu.memory_space<hbm>> -> memref<16x1024xf32, #tpu.memory_space<hbm>>
        %dma_start3A_70 = arith.constant 0 : i32
        %dma_start3A_71 = tpu.memref_slice %arg7[%multiple_of3A, %dma_start3A_70] : memref<16384x1024xf32, #tpu.memory_space<hbm>> -> memref<16x1024xf32, #tpu.memory_space<hbm>>
        tpu.enqueue_dma source(%arg11 : memref<16x1024xf32, #tpu.memory_space<vmem>>) target(%dma_start3A_71 : memref<16x1024xf32, #tpu.memory_space<hbm>>) target_semaphore(%run_scoped3A : memref<!tpu.dma_semaphore, #tpu.memory_space<semaphore_mem>>)
        %dma_wait3A_72 = arith.constant 0 : i32
        %dma_wait3A_73 = tpu.memref_slice %arg7[%multiple_of3A, %dma_wait3A_72] : memref<16384x1024xf32, #tpu.memory_space<hbm>> -> memref<16x1024xf32, #tpu.memory_space<hbm>>
        %dma_wait3A_74 = arith.constant 0 : i32
        %dma_wait3A_75 = tpu.memref_slice %arg7[%multiple_of3A, %dma_wait3A_74] : memref<16384x1024xf32, #tpu.memory_space<hbm>> -> memref<16x1024xf32, #tpu.memory_space<hbm>>
        tpu.wait_dma2 semaphore(%run_scoped3A : memref<!tpu.dma_semaphore, #tpu.memory_space<semaphore_mem>>) src(%arg11 : memref<16x1024xf32, #tpu.memory_space<vmem>>) dst(%dma_wait3A_75 : memref<16x1024xf32, #tpu.memory_space<hbm>>)
        tpu.yield
      }) : () -> ()
    }
    %scan3A_14 = arith.constant 32 : i32
    return
  }
}

</mosaic_0001>

<sc_bundles>
// kernel: kernel.3.cloned.1.call-start
scs
__scs_entry_jumppad:
0x0: {  	(pc) =	sbr.rel $0x88, $3  }
0x1: {  	(tag) =	ssettag $0x0;
	lr =	simm.s32 $0x1  }
0x2: {  	[smem:$0x3F9C] =	sst lr;
	_ =	strace $0xD0000000  }
0x3: {  	_ = 	snop  }
0x4: {  	_ = 	snop  }
0x5: {  	_ = 	snop  }
0x6: {  	_ = 	snop  }
0x7: {  	_ = 	snop  }
__scs_overlays_trampoline_lowered:
0x8: {  	[smem:$0x3FAB] =	sst s0  }
0x9: {  	[smem:$0x3FAC] =	sst s1  }
0xa: {  	[smem:$0x3FAD] =	sst s2  }
0xb: {  	[smem:$0x3FAE] =	sst s3  }
0xc: {  	[smem:$0x3FAF] =	sst s4  }
0xd: {  	[smem:$0x3FB0] =	sst s5  }
0xe: {  	[smem:$0x3FB1] =	sst s6  }
0xf: {  	[smem:$0x3FB2] =	sst s7  }
0x10: {  	[smem:$0x3FB3] =	sst s8  }
0x11: {  	[smem:$0x3FB4] =	sst s9;
	s0 =	simm.s32 @!p0 $0x0  }
0x12: {  	s1 =	sld [smem:$0x3F9A];
	s0 =	simm.s32 @p0 $0x1  }
0x13: {  	[smem:$0x3FB5] =	sst s0;
	s0 =	simm.s32 @!p1 $0x0  }
0x14: {  	s2 =	sld [smem:$0x3F99];
	s0 =	simm.s32 @p1 $0x1  }
0x15: {  	[smem:$0x3FB6] =	sst s0;
	s0 =	simm.s32 @!p2 $0x0  }
0x16: {  	s3 =	sld [smem:$0x3FDB];
	s0 =	simm.s32 @p2 $0x1  }
0x17: {  	s4 =	simm.s32 $0x1BF5;
	[smem:$0x3FB8] =	sst s0  }
0x18: {  	s0 =	sld [smem:$0x3F9B];
	_ =	swait.ge [sflag:s4], $0x0  }
0x19: {  	s7 =	sld [smem:$0x3F9C]  }
0x1a: {  	s8 =	sadd.s32 $0xFFFFE003, lr  }
0x1b: {  	s9 =	sadd.s32 $0xFFFFFEF7, lr;
	s5 =	simm.s32 $0xFFFFFFFF;
	p2 =	slt.u32 s8, $0xFFFFF086  }
0x1c: {  	p1 =	slt.u32 s9, $0xF7A;
	s5 =	simm.s32 @!p2 $0x0  }
0x1d: {  	s5 =	simm.s32 @p1 $0x1;
	p0 =	seq.s32 s7, s2  }
0x1e: {  	s7 =	smul.u32 @!p0 $0xF7A, s2;
	p2 =	seq.s32 @!p0 s5, $0x0  }
0x1f: {  	s9 =	smul.u32 $0xF7A, s1;
	s8 =	simm.s32 @!p0 $0x1BF5;
	p2 =	por !p2, p0  }
0x20: {  	[sflag:s8] =	ssyncset.s32 @!p0 $0xFFFFF086;
	s6 =	sadd.s32 @!p0 s3, s7;
	s7 =	simm.s32 @!p0 $0x108  }
0x21: {  	s3 =	sadd.s32 s3, s9;
	s6 =	sadd.s32 @!p0 $0x88, s6;
	s7 =	simm.s32 @p2 $0x1082  }
0x22: {  	[simem:s7], [sflag:s8] =	dma.local @!p0 [hbm:s6], $0xF7A  }
0x23: {  	s9 =	sor.u32 $0xD0000000, s2;
	s6 =	simm.s32 $0x108;
	_ =	swait.ge @!p0 [sflag:s8], $0x0  }
0x24: {  	s3 =	sadd.s32 $0x88, s3;
	s6 =	simm.s32 @!p1 $0x1082;
	[sflag:s4] =	ssyncset.s32 $0xFFFFF086  }
0x25: {  	[simem:s6], [sflag:s4] =	dma.local [hbm:s3], $0xF7A  }
0x26: {  	[smem:$0x3F9C] =	sst s1;
	(tag) =	ssettag s2;
	_ =	strace s9  }
0x27: {  	s1 =	sld [smem:$0x3FAC]  }
0x28: {  	s2 =	sld [smem:$0x3FAD]  }
0x29: {  	s4 =	sld [smem:$0x3FAF]  }
0x2a: {  	p0 =	seq.s32 s5, $0x0;
	s5 =	sld [smem:$0x3FB0]  }
0x2b: {  	s6 =	sld [smem:$0x3FB1]  }
0x2c: {  	s7 =	sld [smem:$0x3FB2]  }
0x2d: {  	s3 =	simm.s32 $0x108;
	s8 =	sld [smem:$0x3FB3]  }
0x2e: {  	s3 =	simm.s32 @!p0 $0x1082;
	s9 =	sld [smem:$0x3FB4]  }
0x2f: {  	lr =	sadd.s32 s0, s3;
	s0 =	sld [smem:$0x3FAB]  }
0x30: {  	s3 =	sld [smem:$0x3FAE]  }
0x31: {  	[smem:$0x3FB7] =	sst s10  }
0x32: {  	s10 =	sld [smem:$0x3FB5];
	_ =	sdelay $0x3  }
0x33: {  	p0 =	seq.s32 s10, $0x1;
	s10 =	sld [smem:$0x3FB7];
	_ =	sdelay $0x3  }
0x34: {  	[smem:$0x3FB7] =	sst s10  }
0x35: {  	s10 =	sld [smem:$0x3FB6];
	_ =	sdelay $0x3  }
0x36: {  	p1 =	seq.s32 s10, $0x1;
	s10 =	sld [smem:$0x3FB7];
	_ =	sdelay $0x3  }
0x37: {  	[smem:$0x3FB7] =	sst s10  }
0x38: {  	s10 =	sld [smem:$0x3FB8]  }
0x39: {  	_ = 	snop;
	(pc) =	sbr.ind lr, $3  }
0x3a: {  	_ = 	snop  }
0x3b: {  	_ = 	snop  }
0x3c: {  	p2 =	seq.s32 s10, $0x1;
	s10 =	sld [smem:$0x3FB7]  }
0x3d: {  	_ =	shalt  }
0x3e: {  	_ =	shalt  }
0x3f: {  	_ =	shalt  }
0x40: {  	_ =	shalt  }
0x41: {  	_ =	shalt  }
0x42: {  	_ =	shalt  }
0x43: {  	_ =	shalt  }
0x44: {  	_ =	shalt  }
0x45: {  	_ =	shalt  }
0x46: {  	_ =	shalt  }
0x47: {  	_ =	shalt  }
0x48: {  	_ =	shalt  }
0x49: {  	_ =	shalt  }
0x4a: {  	_ =	shalt  }
0x4b: {  	_ =	shalt  }
0x4c: {  	_ =	shalt  }
0x4d: {  	_ =	shalt  }
0x4e: {  	_ =	shalt  }
0x4f: {  	_ =	shalt  }
0x50: {  	_ =	shalt  }
0x51: {  	_ =	shalt  }
0x52: {  	_ =	shalt  }
0x53: {  	_ =	shalt  }
0x54: {  	_ =	shalt  }
0x55: {  	_ =	shalt  }
0x56: {  	_ =	shalt  }
0x57: {  	_ =	shalt  }
0x58: {  	_ =	shalt  }
0x59: {  	_ =	shalt  }
0x5a: {  	_ =	shalt  }
0x5b: {  	_ =	shalt  }
0x5c: {  	_ =	shalt  }
0x5d: {  	_ =	shalt  }
0x5e: {  	_ =	shalt  }
0x5f: {  	_ =	shalt  }
0x60: {  	_ =	shalt  }
0x61: {  	_ =	shalt  }
0x62: {  	_ =	shalt  }
0x63: {  	_ =	shalt  }
0x64: {  	_ =	shalt  }
0x65: {  	_ =	shalt  }
0x66: {  	_ =	shalt  }
0x67: {  	_ =	shalt  }
0x68: {  	_ =	shalt  }
0x69: {  	_ =	shalt  }
0x6a: {  	_ =	shalt  }
0x6b: {  	_ =	shalt  }
0x6c: {  	_ =	shalt  }
0x6d: {  	_ =	shalt  }
0x6e: {  	_ =	shalt  }
0x6f: {  	_ =	shalt  }
0x70: {  	_ =	shalt  }
0x71: {  	_ =	shalt  }
0x72: {  	_ =	shalt  }
0x73: {  	_ =	shalt  }
0x74: {  	_ =	shalt  }
0x75: {  	_ =	shalt  }
0x76: {  	_ =	shalt  }
0x77: {  	_ =	shalt  }
0x78: {  	_ =	shalt  }
0x79: {  	_ =	shalt  }
0x7a: {  	_ =	shalt  }
0x7b: {  	_ =	shalt  }
0x7c: {  	_ =	shalt  }
0x7d: {  	_ =	shalt  }
0x7e: {  	_ =	shalt  }
0x7f: {  	_ =	shalt  }
0x80: {  	_ =	shalt  }
0x81: {  	_ =	shalt  }
0x82: {  	_ =	shalt  }
0x83: {  	_ =	shalt  }
0x84: {  	_ =	shalt  }
0x85: {  	_ =	shalt  }
0x86: {  	_ =	shalt  }
0x87: {  	_ =	shalt  }
.Lfunc_end0:
.L_simem_size_0:
called_computation_lowered:
.L_overlay_start_0:
0x88: {  	s2 =	sld [smem:$0x3FD9]  }
0x89: {  	s3 =	sld [smem:$0x3FFE];
	_ =	sdelay $0x1  }
0x8a: {  	s1 =	srdreg.scid  }
0x8b: {  	s0 =	sand.u32 $0x1, s1  }
0x8c: {  	s17 =	sshll.u32 s0, $0xA;
	s2 =	sadd.s32 s3, s2  }
0x8d: {  	s2 =	sadd.s32 s2, s17  }
0x8e: {  	[smem:$0x3FC3] =	sst s2  }
0x8f: {  	_ = 	snop  }
0x90: {  	s2 =	sld [smem:$0x3FC9]  }
0x91: {  	s18 =	sld [smem:$0x3FC7]  }
0x92: {  	s4 =	sld [smem:$0x3FC6]  }
0x93: {  	s5 =	sld [smem:$0x3FC5]  }
0x94: {  	s6 =	sld [smem:$0x3FD0];
	(tm) =	ssettm $0x1  }
0x95: {  	s7 =	sld [smem:$0x3FFB];
	_ =	sdelay $0x3  }
0x96: {  	_ =	strace s7  }
0x97: {  	s7 =	sld [smem:$0x3FFC];
	_ =	sdelay $0x3  }
0x98: {  	_ =	strace s7  }
0x99: {  	s7 =	sld [smem:$0x3FFD];
	_ =	sdelay $0x3  }
0x9a: {  	_ =	strace s7  }
0x9b: {  	_ =	strace $0x8FFFFFFF  }
0x9c: {  	s19 =	sld [smem:$0x3FDB];
	_ =	sdelay $0x1  }
0x9d: {  	s8 =	simm.s32 $_scs_section_size  }
0x9e: {  	s9 =	simm.s32 $_size__tile_overlayer_lowered;
	s10 =	simm.s32 $_tile_overlayer_lowered  }
0x9f: {  	s22 =	simm.s32 $0x1BFF;
	s21 =	sshll.u32 s10, $0x1;
	s7 =	sadd.s32 s8, s19  }
0xa0: {  	s11 =	simm.s32 $0x0;
	s20 =	sshll.u32 s9, $0x1;
	s9 =	sadd.s32 s21, s7  }
0xa1: {  	[timem:s11], [sflag:s22] =	dma.local [hbm:s9], s20  }
0xa2: {  	_ =	swait.ge [sflag:s22], s20  }
0xa3: {  	s8 =	ssub.s32 $0x0, s20;
	[sflag:s22] =	ssyncset.done $0x0  }
0xa4: {  	[sflag:s22] =	ssyncadd.s32 s8;
	_ =	sdelay $0x1  }
0xa5: {  	s23 =	simm.s32 $0x1B8B  }
0xa6: {  	_ =	swait.ge [sflag:s23], $0x1  }
0xa7: {  	[sflag:s23] =	ssyncset.done $0x0  }
0xa8: {  	s25 =	simm.s32 $0x1B8E;
	s24 =	sld [smem:$0x3FFE];
	[sflag:s23] =	ssyncadd.s32 $0xFFFFFFFF  }
0xa9: {  	s26 =	simm.s32 $execute0_lowered;
	[smem:$0x3FD2] =	sst s25  }
0xaa: {  	s9 =	sshll.u32 s26, $0x1;
	_ =	strace $0x80000046;
	[dreg:$0x1] =	wrdreg $0xFFFFFFFF  }
0xab: {  	s28 =	simm.s32 $_size_execute0_lowered;
	s7 =	sadd.s32 s7, s9;
	[dreg:$0x0] =	wrdreg $0x0  }
0xac: {  	s9 =	sshll.u32 s28, $0x1;
	[dreg:$0x2] =	wrdreg s7  }
0xad: {  	[dreg:$0x3] =	wrdreg s9  }
0xae: {  	[dreg:$0x4] =	wrdreg $0xC0  }
0xaf: {  	_ =	task [dreg:s11], $0x5FFFF  }
0xb0: {  	[dreg:$0x1] =	wrdreg $0xFFFFFFFF  }
0xb1: {  	[dreg:$0x0] =	wrdreg $0x60  }
0xb2: {  	[dreg:$0x2] =	wrdreg s2  }
0xb3: {  	[dreg:$0x3] =	wrdreg s24  }
0xb4: {  	[dreg:$0x4] =	wrdreg s18  }
0xb5: {  	[dreg:$0x5] =	wrdreg s4  }
0xb6: {  	[dreg:$0x6] =	wrdreg s5  }
0xb7: {  	[dreg:$0x7] =	wrdreg s6  }
0xb8: {  	[dreg:$0x8] =	wrdreg $0x9  }
0xb9: {  	_ =	task.clear_ibuf [dreg:s11], $0x9FFFF;
	_ =	strace $0x90000046  }
0xba: {  	s29 =	simm.s32 $0x9;
	_ =	strace $0x80000048  }
0xbb: {  	_ =	swait.ge [sflag:s29], $0x1  }
0xbc: {  	[sflag:s29] =	ssyncadd.s32 $0xFFFFFFFF  }
0xbd: {  	_ =	strace $0x90000048  }
0xbe: {  	_ =	sfence  }
0xbf: {  	s30 =	sld [smem:$0x0];
	_ =	sdelay $0x2  }
0xc0: {  	s31 =	sshll.u32 s1, $0xD;
	s1 =	sshrl.u32 s1, $0x2  }
0xc1: {  	s3 =	sand.u32 $0x4000, s31;
	s1 =	sadd.s32 s1, s30  }
0xc2: {  	s0 =	sor.u32 s3, s0;
	s1 =	sshll.u32 s1, $0x11  }
0xc3: {  	s0 =	sor.u32 s1, s0  }
0xc4: {  	s0 =	sadd.s32 $0x8F2B, s0  }
0xc5: {  	[sflag:s0] =	ssyncadd.remote.s32 $0x1  }
0xc6: {  	_ =	sfence.sel $0xFFFF  }
0xc7: {  	[dreg:$0x0] =	wrdreg $0xFFFFFFFF;
	(pc) =	sbr.abs _section_cstart, $3  }
0xc8: {  	[dreg:$0x1] =	wrdreg $0xFFFFFFFF  }
0xc9: {  	_ =	task.clear_ibuf [dreg:s11], $0x2FFFF;
	_ =	strace $0x9FFFFFFF  }
0xca: {  	(tm) =	ssettm $0x7FFFFFFF  }
0xcb: {  	_ =	shalt  }
tec
execute0_lowered:
.L_overlay_start_1:
0x0: {  	(tag) =	ssettag $0x1  }
0x1: {  	s0 =	rddreg [dreg:$0x0];
	v0 =	vimm.s32 $0x2380;
	vm0 =	vcmask $0x300  }
0x2: {  	s3 =	rddreg [dreg:$0x1];
	v0 =	vsel vm0, $0x0, v0;
	vm0 =	vcmask $0x704  }
0x3: {  	s1 =	rddreg [dreg:$0x2];
	v0 =	vsel vm0, $0x80, v0;
	vm0 =	vcmask $0xB08  }
0x4: {  	s2 =	rddreg [dreg:$0x3];
	v0 =	vsel vm0, $0x100, v0;
	vm0 =	vcmask $0xF0C  }
0x5: {  	s4 =	rddreg [dreg:$0x4];
	v0 =	vsel vm0, $0x180, v0;
	vm0 =	vcmask $0x1310  }
0x6: {  	s5 =	rddreg [dreg:$0x5];
	s6 =	simm.s32 $0x0;
	s7 =	srdreg.scid;
	v0 =	vsel vm0, $0x200, v0;
	vm0 =	vcmask $0x1714  }
0x7: {  	s14 =	simm.s32 $0xC080;
	s15 =	simm.s32 $0x2;
	s16 =	simm.s32 $0xC480;
	v0 =	vsel vm0, $0x280, v0;
	vm0 =	vcmask $0x1B18  }
0x8: {  	s17 =	simm.s32 $0x80;
	s18 =	simm.s32 $0x4080;
	s19 =	simm.s32 $0x4880;
	v0 =	vsel vm0, $0x300, v0;
	vm0 =	vcmask $0x1F1C  }
0x9: {  	s20 =	simm.s32 $0x5080;
	s21 =	simm.s32 $0x5880;
	s22 =	simm.s32 $0x6080;
	v0 =	vsel vm0, $0x380, v0;
	vm0 =	vcmask $0x2320  }
0xa: {  	s23 =	simm.s32 $0x6880;
	s24 =	simm.s32 $0x7080;
	s25 =	simm.s32 $0x7880;
	v0 =	vsel vm0, $0x2000, v0;
	vm0 =	vcmask $0x2724  }
0xb: {  	s26 =	simm.s32 $0x1;
	s28 =	simm.s32 $0x8080;
	s29 =	simm.s32 $0x0;
	v0 =	vsel vm0, $0x2080, v0;
	vm0 =	vcmask $0x2B28  }
0xc: {  	v2 =	vlaneseq.u32;
	[smem:$0x7FF] =	sst s6;
	s9 =	sand.u32 $0x1, s7;
	s8 =	sadd.s32 $0x400, s3;
	v1 =	vsel vm0, $0x2100, v0;
	vm0 =	vcmask $0x2F2C  }
0xd: {  	vm1 =	vcmask $0x3B38;
	s7 =	stileid.u32;
	s12 =	sadd.s32 $0x300, s1;
	s31 =	ssub.s32 $0x2, s9;
	v1 =	vsel vm0, $0x2180, v1;
	vm0 =	vcmask $0x3330  }
0xe: {  	v3 =	vshrl.u32 v2, $0x3;
	s11 =	sshll.u32 s7, $0xA;
	s9 =	sshll.u32 s9, $0x9;
	s10 =	sshrl.u32 s31, $0x1;
	v4 =	vsel vm0, $0x2200, v1;
	vm0 =	vcmask $0x3734  }
0xf: {  	_ =	strace $0x80000047;
	s9 =	sor.u32 s9, s11;
	s3 =	ssub.s32 s31, s10;
	v0 =	vand.u32 $0x7, v2;
	v1 =	vmul.u32 $0x8, v3;
	v3 =	vsel vm0, $0x2280, v4  }
0x10: {  	s11 =	sadd.s32 $0x200, s1;
	s10 =	sadd.s32 $0x100, s1;
	s13 =	smax.u32 s3, $0x1;
	v2 =	vor.u32 $0x8, v2;
	vm0 =	vmmov $0xffff;
	v3 =	vsel vm1, $0x2300, v3  }
.LBB2_1:
0x11: {  	[tilespmem:s14], [sflag:$0x2] =	stream.linear.gather [hbm4b:s2+s6], $0x400, $0x38;
	[tilespmem:$0xC880] =	vst v63  }
0x12: {  	_ =	swait.ge [sflag:s15], $0x400  }
0x13: {  	[sflag:s15] =	ssyncset.done $0x0  }
0x14: {  	[sflag:s15] =	ssyncadd.s32 $0xFFFFFC00  }
0x15: {  	[tilespmem:s16], [sflag:$0x2] =	stream.linear.gather [hbm4b:s4+s6], $0x400, $0x38;
	[tilespmem:$0xC880] =	vst v63  }
0x16: {  	_ =	swait.ge [sflag:s15], $0x400  }
0x17: {  	[sflag:s15] =	ssyncset.done $0x0  }
0x18: {  	s30 =	simm.s32 $0x0;
	[sflag:s15] =	ssyncadd.s32 $0xFFFFFC00  }
.LBB2_2:
0x19: {  	s3 =	sshll.u32 s30, $0x4  }
0x1a: {  	s3 =	sadd.s32 s9, s3  }
0x1b: {  	s31 =	sshrl.u32 s3, $0x3  }
0x1c: {  	s31 =	sadd.s32 s8, s31  }
0x1d: {  	[tilespmem:s6], [sflag:$0x2] =	stream.linear.gather [hbm4b:s31+s6], $0x10, $0x38;
	[tilespmem:$0xC880] =	vst v63  }
0x1e: {  	_ =	swait.ge [sflag:s15], $0x10  }
0x1f: {  	s31 =	sshll.u32 s3, $0x7;
	[sflag:s15] =	ssyncset.done $0x0  }
0x20: {  	s3 =	sadd.s32 s0, s31;
	[sflag:s15] =	ssyncadd.s32 $0xFFFFFFF0  }
0x21: {  	[tilespmem:s17], [sflag:$0x2] =	stream.linear.gather [hbm4b:s3+s6], $0x4000, $0x38;
	[tilespmem:$0xC880] =	vst v63  }
0x22: {  	_ =	swait.ge [sflag:s15], $0x4000  }
0x23: {  	[sflag:s15] =	ssyncset.done $0x0  }
0x24: {  	[sflag:s15] =	ssyncadd.s32 $0xFFFFC000  }
0x25: {  	v4 =	vld [tilespmem:$0x0];
	_ =	sdelay $0x4  }
0x26: {  	v5 =	vshll.u32 v4, $0x3  }
0x27: {  	v4 =	vand.u32 $0x7, v4;
	v5 =	vand.u32 $0xFFFFFFC0, v5  }
0x28: {  	v4 =	vor.u32 v4, v5  }
0x29: {  	v5 =	vperm.xlane v4, v0;
	_ =	sdelay $0x1  }
0x2a: {  	v5 =	vadd.s32 v1, v5;
	_ =	sdelay $0x4  }
0x2b: {  	[tilespmem:s18], [sflag:$0x1] =	stream.indirect_vreg.gather [hbm4b:s1+s6], $0x80, v5, vm0, $0xb8;
	[tilespmem:$0xC880] =	vst v63  }
0x2c: {  	v4 =	vperm.xlane v4, v2  }
0x2d: {  	[tilespmem:s19], [sflag:$0x1] =	stream.indirect_vreg.gather [hbm4b:s10+s6], $0x80, v5, vm0, $0xb8;
	[tilespmem:$0xC880] =	vst v63  }
0x2e: {  	v6 =	vadd.s32 v1, v4  }
0x2f: {  	[tilespmem:s20], [sflag:$0x1] =	stream.indirect_vreg.gather [hbm4b:s11+s6], $0x80, v5, vm0, $0xb8;
	[tilespmem:$0xC880] =	vst v63  }
0x30: {  	_ = 	snop  }
0x31: {  	[tilespmem:s21], [sflag:$0x1] =	stream.indirect_vreg.gather [hbm4b:s12+s6], $0x80, v5, vm0, $0xb8;
	[tilespmem:$0xC880] =	vst v63  }
0x32: {  	_ = 	snop  }
0x33: {  	[tilespmem:s22], [sflag:$0x1] =	stream.indirect_vreg.gather [hbm4b:s1+s6], $0x80, v6, vm0, $0xb8;
	[tilespmem:$0xC880] =	vst v63  }
0x34: {  	v7 =	vimm.s32 $0x0  }
0x35: {  	v4 =	vshll.u32 v7, $0x3;
	[tilespmem:s23], [sflag:$0x1] =	stream.indirect_vreg.gather [hbm4b:s10+s6], $0x80, v6, vm0, $0xb8;
	[tilespmem:$0xC880] =	vst v63  }
0x36: {  	v4 =	vand.u32 $0xFFFFFC00, v4;
	v5 =	vand.u32 $0x7F, v7  }
0x37: {  	v4 =	vor.u32 v5, v4;
	[tilespmem:s24], [sflag:$0x1] =	stream.indirect_vreg.gather [hbm4b:s11+s6], $0x80, v6, vm0, $0xb8;
	[tilespmem:$0xC880] =	vst v63  }
0x38: {  	v4 =	vadd.s32 v3, v4  }
0x39: {  	[tilespmem:s25], [sflag:$0x1] =	stream.indirect_vreg.gather [hbm4b:s12+s6], $0x80, v6, vm0, $0xb8;
	[tilespmem:$0xC880] =	vst v63  }
0x3a: {  	_ =	swait.ge [sflag:s26], $0x4000  }
0x3b: {  	[sflag:s26] =	ssyncset.done $0x0  }
0x3c: {  	[sflag:s26] =	ssyncadd.s32 $0xFFFFC000  }
0x3d: {  	v8 =	vld.idx.msk [tilespmem:v4+s18+$0x0], $0xffff  }
0x3e: {  	s3 =	simm.s32 $0x3FE;
	v7 =	vadd.s32 $0x1, v7;
	v5 =	vimm.f32 $0.0e+00;
	v6 =	vimm.f32 $0.0e+00;
	v9 =	vld.idx.msk [tilespmem:v4+s17+$0x0], $0xffff  }
.LBB2_3:
0x3f: {  	p0 =	sne.s32 s3, $0x1;
	v10 =	vshll.u32 v7, $0x3  }
0x40: {  	v11 =	vand.u32 $0x7F, v7;
	v10 =	vand.u32 $0xFFFFFC00, v10  }
0x41: {  	v10 =	vor.u32 v11, v10  }
0x42: {  	v10 =	vadd.s32 v3, v10;
	_ =	sdelay $0x1  }
.Ltmp0:
0x43: {  	v8 =	vadd.f32 v8, v9;
	(pc) =	sbr.rel @p0 .LBB2_3-.Ltmp0, $4  }
0x44: {  	_ = 	snop  }
0x45: {  	v5 =	vadd.f32 v8, v5;
	v11 =	vmul.f32 v8, v8;
	[tilespmem:v4+s28+$0x0] =	vst.idx.msk $0xffff, v8;
	v4 =	vmov v10  }
0x46: {  	v8 =	vld.idx.msk [tilespmem:v10+s18+$0x0], $0xffff  }
0x47: {  	s3 =	sadd.s32 $0xFFFFFFFF, s3;
	v7 =	vadd.s32 $0x1, v7;
	v6 =	vadd.f32 v11, v6;
	v9 =	vld.idx.msk [tilespmem:v10+s17+$0x0], $0xffff  }
0x48: {  	v10 =	vshll.u32 v7, $0x3  }
0x49: {  	v7 =	vand.u32 $0x7F, v7;
	v10 =	vand.u32 $0xFFFFFC00, v10  }
0x4a: {  	v7 =	vor.u32 v7, v10  }
0x4b: {  	v7 =	vadd.s32 v3, v7;
	_ =	sdelay $0x1  }
0x4c: {  	v8 =	vadd.f32 v8, v9;
	_ =	sdelay $0x1  }
0x4d: {  	[tilespmem:v4+s28+$0x0] =	vst.idx.msk $0xffff, v8  }
0x4e: {  	v4 =	vld.idx.msk [tilespmem:v7+s18+$0x0], $0xffff  }
0x4f: {  	v9 =	vld.idx.msk [tilespmem:v7+s17+$0x0], $0xffff;
	_ =	sdelay $0x4  }
0x50: {  	v5 =	vadd.f32 v8, v5;
	v8 =	vmul.f32 v8, v8;
	v9 =	vadd.f32 v4, v9;
	_ =	sdelay $0x1  }
0x51: {  	v4 =	vadd.f32 v8, v6;
	v5 =	vadd.f32 v9, v5;
	v6 =	vmul.f32 v9, v9;
	_ =	sdelay $0x1  }
0x52: {  	v6 =	vadd.f32 v6, v4;
	v4 =	vmul.f32 $9.765625000e-04, v5;
	_ =	sdelay $0x1  }
0x53: {  	v5 =	vmul.f32 $9.765625000e-04, v6;
	v6 =	vmul.f32 v4, v4;
	_ =	sdelay $0x1  }
0x54: {  	v5 =	vsub.f32 v5, v6;
	_ =	sdelay $0x1  }
0x55: {  	v5 =	vadd.f32 $9.999999740e-06, v5;
	_ =	sdelay $0x1  }
0x56: {  	v6 =	vshra.s32 v5, $0x1;
	v8 =	vmul.f32 $5.000000000e-01, v5  }
0x57: {  	v5 =	vsub.s32 $0x5F3759DF, v6  }
0x58: {  	v6 =	vmul.f32 v5, v8;
	_ =	sdelay $0x1  }
0x59: {  	v6 =	vmul.f32 v5, v6;
	_ =	sdelay $0x1  }
0x5a: {  	v6 =	vsub.f32 $1.500000000e+00, v6;
	_ =	sdelay $0x1  }
0x5b: {  	v5 =	vmul.f32 v5, v6;
	_ =	sdelay $0x1  }
0x5c: {  	v6 =	vmul.f32 v5, v8;
	_ =	sdelay $0x1  }
0x5d: {  	v6 =	vmul.f32 v6, v5;
	_ =	sdelay $0x1  }
0x5e: {  	v6 =	vsub.f32 $1.500000000e+00, v6;
	_ =	sdelay $0x1  }
0x5f: {  	v6 =	vmul.f32 v6, v5;
	_ =	sdelay $0x1  }
0x60: {  	v10 =	vimm.s32 $0x0;
	v5 =	vmul.f32 v6, v8  }
0x61: {  	v11 =	vshll.u32 v10, $0x3  }
0x62: {  	v12 =	vand.u32 $0x7F, v10;
	v11 =	vand.u32 $0xFFFFFC00, v11;
	v5 =	vmul.f32 v5, v6  }
0x63: {  	v11 =	vor.u32 v12, v11  }
0x64: {  	v63 =	vsub.f32 $1.500000000e+00, v5;
	v5 =	vadd.s32 v3, v11;
	_ =	sdelay $0x1  }
0x65: {  	v6 =	vmul.f32 v63, v6;
	_ =	sdelay $0x1  }
0x66: {  	[tilespmem:v7+s28+$0x0] =	vst.idx.msk $0xffff, v9;
	v7 =	vmul.f32 v6, v8  }
0x67: {  	v11 =	vld.idx.msk [tilespmem:v5+s28+$0x0], $0xffff  }
0x68: {  	v7 =	vmul.f32 v7, v6;
	_ =	sdelay $0x1  }
0x69: {  	v9 =	vsub.f32 $1.500000000e+00, v7  }
0x6a: {  	v8 =	vld.idx.msk [tilespmem:v10+s14+$0x0], $0xffff  }
0x6b: {  	v7 =	vadd.s32 $0x1, v10;
	v6 =	vmul.f32 v9, v6;
	v9 =	vld.idx.msk [tilespmem:v10+s16+$0x0], $0xffff;
	v10 =	vsub.f32 v11, v4  }
0x6c: {  	s3 =	simm.s32 $0x3FE;
	v11 =	vshll.u32 v7, $0x3  }
.LBB2_5:
0x6d: {  	p0 =	sne.s32 s3, $0x1;
	v12 =	vand.u32 $0x7F, v7;
	v11 =	vand.u32 $0xFFFFFC00, v11;
	v10 =	vmul.f32 v10, v6  }
0x6e: {  	v11 =	vor.u32 v12, v11  }
0x6f: {  	v11 =	vadd.s32 v3, v11;
	v8 =	vmul.f32 v10, v8;
	_ =	sdelay $0x1  }
0x70: {  	v8 =	vadd.f32 v8, v9;
	_ =	sdelay $0x1  }
0x71: {  	[tilespmem:v5+s28+$0x0] =	vst.idx.msk $0xffff, v8;
	v5 =	vmov v11  }
0x72: {  	v10 =	vld.idx.msk [tilespmem:v11+s28+$0x0], $0xffff;
	_ =	sdelay $0x2  }
.Ltmp1:
0x73: {  	(pc) =	sbr.rel @p0 .LBB2_5-.Ltmp1, $3  }
0x74: {  	v8 =	vld.idx.msk [tilespmem:v7+s14+$0x0], $0xffff;
	_ =	sdelay $0x1  }
0x75: {  	v10 =	vsub.f32 v10, v4;
	v9 =	vld.idx.msk [tilespmem:v7+s16+$0x0], $0xffff;
	v7 =	vadd.s32 $0x1, v7  }
0x76: {  	s3 =	sadd.s32 $0xFFFFFFFF, s3;
	v11 =	vshll.u32 v7, $0x3  }
0x77: {  	v12 =	vand.u32 $0x7F, v7;
	v11 =	vand.u32 $0xFFFFFC00, v11;
	v10 =	vmul.f32 v10, v6  }
0x78: {  	v11 =	vor.u32 v12, v11  }
0x79: {  	v11 =	vadd.s32 v3, v11;
	v8 =	vmul.f32 v10, v8;
	_ =	sdelay $0x1  }
0x7a: {  	v8 =	vadd.f32 v8, v9;
	_ =	sdelay $0x1  }
0x7b: {  	[tilespmem:v5+s28+$0x0] =	vst.idx.msk $0xffff, v8  }
0x7c: {  	v5 =	vld.idx.msk [tilespmem:v11+s28+$0x0], $0xffff;
	_ =	sdelay $0x3  }
0x7d: {  	v8 =	vld.idx.msk [tilespmem:v7+s14+$0x0], $0xffff  }
0x7e: {  	v4 =	vsub.f32 v5, v4  }
0x7f: {  	v5 =	vld.idx.msk [tilespmem:v7+s16+$0x0], $0xffff  }
0x80: {  	v4 =	vmul.f32 v4, v6;
	_ =	sdelay $0x1  }
0x81: {  	v4 =	vmul.f32 v4, v8;
	_ =	sdelay $0x1  }
0x82: {  	s30 =	sadd.s32 $0x1, s30;
	v4 =	vadd.f32 v4, v5  }
0x83: {  	p0 =	sne.s32 s30, $0x20  }
.Ltmp2:
0x84: {  	s3 =	sadd.s32 s5, s31;
	[tilespmem:v11+s28+$0x0] =	vst.idx.msk $0xffff, v4;
	(pc) =	sbr.rel @p0 .LBB2_2-.Ltmp2, $4  }
0x85: {  	[hbm4b:s3+s6] =	stream.linear.scatter [tilespmem:s28], [sflag:$0x2], $0x4000, $0x38;
	[tilespmem:$0xC880] =	vst v63  }
0x86: {  	_ =	swait.ge [sflag:s15], $0x4000  }
0x87: {  	[sflag:s15] =	ssyncset.done $0x0  }
0x88: {  	[sflag:s15] =	ssyncadd.s32 $0xFFFFC000  }
0x89: {  	s29 =	sadd.s32 $0x1, s29  }
0x8a: {  	p0 =	sne.s32 s29, s13  }
.Ltmp3:
0x8b: {  	_ = 	snop;
	(pc) =	sbr.rel @p0 .LBB2_1-.Ltmp3, $1  }
0x8c: {  	_ =	sdelay $0x3  }
0x8d: {  	_ =	sfence.sel $0x180000  }
0x8e: {  	[bflag:$0x0] =	sbarrier.arrive $0xFFFF  }
0x8f: {  	_ =	strace $0x90000047  }
0x90: {  	[bflag:$0x2] =	sbarrier.arrive $0xFFFF  }
0x91: {  	p0 =	sne.s32 s7, $0x0;
	s0 =	rddreg [dreg:$0x6]  }
0x92: {  	s0 =	sadd.s32 @!p0 $0x100000, s0  }
0x93: {  	[sflag:s0] =	ssyncadd.tile.s32 @!p0 $0x1;
	_ =	shalt  }
.Lfunc_end2:
_tile_overlayer_lowered:
.L_overlay_start_2:
0x94: {  	(tag) =	ssettag $0x2  }
0x95: {  	s0 =	rddreg [dreg:$0x0];
	s2 =	stileid.u32  }
0x96: {  	s1 =	rddreg [dreg:$0x1];
	p0 =	sne.s32 s2, $0x0  }
0x97: {  	s3 =	rddreg [dreg:$0x2];
	[bflag:$0x3] =	sbarrier.arrive $0xFFFF;
	s2 =	simm.s32 @!p0 $0x1C02  }
0x98: {  	[timem:s3], [sflag:s2] =	dma.local @!p0 [hbm:s0], s1  }
0x99: {  	s0 =	simm.s32 @!p0 $0x2  }
0x9a: {  	_ =	swait.ge @!p0 [sflag:s0], s1  }
0x9b: {  	s1 =	ssub.s32 @!p0 $0x0, s1;
	[sflag:s0] =	ssyncset.done @!p0 $0x0  }
0x9c: {  	[sflag:s0] =	ssyncadd.s32 @!p0 s1  }
0x9d: {  	[bflag:$0x3] =	sbarrier.arrive $0xFFFF  }
0x9e: {  	_ =	shalt  }

</sc_bundles>
